<compile_context>
chip_gen: v7x
topology: tpu7x:2x2x1
jax: 0.10.2.dev20260603
libtpu: 0.0.44.dev20260713+nightly
codegen_flags: <defaults>
</compile_context>

<pallas_src>
import functools

import jax
import jax.numpy as jnp
from jax import lax
from jax.experimental import pallas as pl
from jax.experimental.pallas import tpu as pltpu
from jax.experimental.pallas import tpu_sc as plsc

_MAX_T = 100000
_EMB_DIM = 16
_BATCH = 16384

_NC = 2
_NS = 16
_NW = _NC * _NS
_B_PER_W = _BATCH // _NW

_mesh = plsc.VectorSubcoreMesh(core_axis_name="c", subcore_axis_name="s")


@functools.partial(
    pl.kernel,
    mesh=_mesh,
    out_type=jax.ShapeDtypeStruct((_EMB_DIM * _BATCH,), jnp.float32),
    scratch_types=[
        pltpu.VMEM((_B_PER_W,), jnp.int32),
        pltpu.VMEM((_EMB_DIM * _B_PER_W,), jnp.float32),
        [pltpu.SemaphoreType.DMA for _ in range(_EMB_DIM)],
        pltpu.SemaphoreType.DMA,
    ],
    compiler_params=pltpu.CompilerParams(use_tc_tiling_on_sc=False),
)
def _gather_kernel(flat_hbm, idx_hbm, out_hbm, idx_v, val_all, sems, wsem):
    cid = lax.axis_index("c")
    sid = lax.axis_index("s")
    wid = sid * _NC + cid
    base = wid * _B_PER_W

    pltpu.sync_copy(idx_hbm.at[pl.ds(base, _B_PER_W)], idx_v)

    gathers = [
        pltpu.async_copy(
            flat_hbm.at[pl.ds(d * _MAX_T, _MAX_T)].at[idx_v],
            val_all.at[pl.ds(d * _B_PER_W, _B_PER_W)],
            sems[d],
        )
        for d in range(_EMB_DIM)
    ]
    half = _EMB_DIM // 2 * _B_PER_W
    for g in gathers[: _EMB_DIM // 2]:
        g.wait()
    w0 = pltpu.async_copy(
        val_all.at[pl.ds(0, half)],
        out_hbm.at[pl.ds(wid * _EMB_DIM * _B_PER_W, half)],
        wsem,
    )
    for g in gathers[_EMB_DIM // 2 :]:
        g.wait()
    w1 = pltpu.async_copy(
        val_all.at[pl.ds(half, half)],
        out_hbm.at[pl.ds(wid * _EMB_DIM * _B_PER_W + half, half)],
        wsem,
    )
    w0.wait()
    w1.wait()


def kernel(t, embed_weight):
    flat = embed_weight.T.reshape(_EMB_DIM * _MAX_T)
    out_w = _gather_kernel(flat, t.astype(jnp.int32))
    out_t = out_w.reshape(_NW, _EMB_DIM, _B_PER_W).transpose(1, 0, 2)
    return out_t.reshape(_EMB_DIM, _BATCH).T

# --- scband reference (transcript-rebuilt; emitter-appended) ---
"""Pipeline reference for scband-time-embedding-58789512347764 (READ-ONLY COPY).

The authoritative reference and input builder live on the scoring server;
editing this copy changes nothing except your own understanding.
"""

import jax, jax.numpy as jnp
import numpy as np

MAX_T = 100000
EMB_DIM = 16
BATCH = 16384

def setup_inputs(seed: int = 0) -> dict:
    key = jax.random.key(seed)
    k_idx, k_tab = jax.random.split(key)
    t = jax.random.randint(k_idx, (BATCH,), 0, MAX_T, dtype=jnp.int64 if jax.config.jax_enable_x64 else jnp.int32)
    embed_weight = jax.random.normal(k_tab, (MAX_T, EMB_DIM), dtype=jnp.float32)
    return {"t": t, "embed_weight": embed_weight}

def reference(t, embed_weight):
    # nn.Embedding forward: row gather from the embedding table
    return jnp.take(embed_weight, t, axis=0)

if __name__ == "__main__":
    import jax
    _d = setup_inputs()
    print(jax.jit(kernel)(*tuple(_d.values())))

</pallas_src>

<mosaic_0001>
#map = affine_map<(d0, d1) -> (0)>
module attributes {stable_mosaic.version = 14 : i64} {
  func.func @_gather_kernel(%arg0: i32, %arg1: i32, %arg2: memref<1600000xf32, #tpu.memory_space<hbm>>, %arg3: memref<16384xi32, #tpu.memory_space<hbm>>, %arg4: memref<262144xf32, #tpu.memory_space<hbm>>, %arg5: memref<512xi32, #tpu.memory_space<vmem>>, %arg6: memref<8192xf32, #tpu.memory_space<vmem>>, %arg7: memref<!tpu.dma_semaphore, #tpu.memory_space<semaphore_mem>>, %arg8: memref<!tpu.dma_semaphore, #tpu.memory_space<semaphore_mem>>, %arg9: memref<!tpu.dma_semaphore, #tpu.memory_space<semaphore_mem>>, %arg10: memref<!tpu.dma_semaphore, #tpu.memory_space<semaphore_mem>>, %arg11: memref<!tpu.dma_semaphore, #tpu.memory_space<semaphore_mem>>, %arg12: memref<!tpu.dma_semaphore, #tpu.memory_space<semaphore_mem>>, %arg13: memref<!tpu.dma_semaphore, #tpu.memory_space<semaphore_mem>>, %arg14: memref<!tpu.dma_semaphore, #tpu.memory_space<semaphore_mem>>, %arg15: memref<!tpu.dma_semaphore, #tpu.memory_space<semaphore_mem>>, %arg16: memref<!tpu.dma_semaphore, #tpu.memory_space<semaphore_mem>>, %arg17: memref<!tpu.dma_semaphore, #tpu.memory_space<semaphore_mem>>, %arg18: memref<!tpu.dma_semaphore, #tpu.memory_space<semaphore_mem>>, %arg19: memref<!tpu.dma_semaphore, #tpu.memory_space<semaphore_mem>>, %arg20: memref<!tpu.dma_semaphore, #tpu.memory_space<semaphore_mem>>, %arg21: memref<!tpu.dma_semaphore, #tpu.memory_space<semaphore_mem>>, %arg22: memref<!tpu.dma_semaphore, #tpu.memory_space<semaphore_mem>>, %arg23: memref<!tpu.dma_semaphore, #tpu.memory_space<semaphore_mem>>) attributes {dimension_semantics = [#tpu.dimension_semantics<core_parallel>, #tpu.dimension_semantics<subcore_parallel>], iteration_bounds = array<i64: 2, 16>, scalar_prefetch = 0 : i64, scratch_operands = 19 : i64, tpu.core_type = #tpu.core_type<sc_vector_subcore>, window_params = [{transform_indices = #map}, {transform_indices = #map}, {transform_indices = #map}]} {
    %mul3A = arith.constant 2 : i32
    %mul3A_0 = arith.muli %arg1, %mul3A : i32
    %add3A = arith.addi %mul3A_0, %arg0 : i32
    %mul3A_1 = arith.constant 512 : i32
    %mul3A_2 = arith.muli %add3A, %mul3A_1 : i32
    "tpu.region"() ({
      %run_scoped3A = tpu.sem_alloc : memref<!tpu.dma_semaphore, #tpu.memory_space<semaphore_mem>>
      %dma_start3A_227 = tpu.memref_slice %arg3[%mul3A_2] : memref<16384xi32, #tpu.memory_space<hbm>> -> memref<512xi32, #tpu.memory_space<hbm>>
      %dma_start3A_228 = tpu.memref_slice %arg3[%mul3A_2] : memref<16384xi32, #tpu.memory_space<hbm>> -> memref<512xi32, #tpu.memory_space<hbm>>
      tpu.enqueue_dma source(%dma_start3A_228 : memref<512xi32, #tpu.memory_space<hbm>>) target(%arg5 : memref<512xi32, #tpu.memory_space<vmem>>) target_semaphore(%run_scoped3A : memref<!tpu.dma_semaphore, #tpu.memory_space<semaphore_mem>>)
      %dma_wait3A_229 = tpu.memref_slice %arg3[%mul3A_2] : memref<16384xi32, #tpu.memory_space<hbm>> -> memref<512xi32, #tpu.memory_space<hbm>>
      %dma_wait3A_230 = tpu.memref_slice %arg3[%mul3A_2] : memref<16384xi32, #tpu.memory_space<hbm>> -> memref<512xi32, #tpu.memory_space<hbm>>
      tpu.wait_dma2 semaphore(%run_scoped3A : memref<!tpu.dma_semaphore, #tpu.memory_space<semaphore_mem>>) src(%dma_wait3A_230 : memref<512xi32, #tpu.memory_space<hbm>>) dst(%arg5 : memref<512xi32, #tpu.memory_space<vmem>>)
      tpu.yield
    }) : () -> ()
    %dma_start3A = arith.constant 0 : i32
    %dma_start3A_3 = tpu.memref_slice %arg6[%dma_start3A] : memref<8192xf32, #tpu.memory_space<vmem>> -> memref<512xf32, #tpu.memory_space<vmem>>
    %dma_start3A_4 = arith.constant 0 : i32
    %dma_start3A_5 = tpu.memref_slice %arg2[%dma_start3A_4] : memref<1600000xf32, #tpu.memory_space<hbm>> -> memref<100000xf32, #tpu.memory_space<hbm>>
    %dma_start3A_6 = arith.constant 0 : i32
    %dma_start3A_7 = tpu.memref_slice %dma_start3A_5[%dma_start3A_6] : memref<100000xf32, #tpu.memory_space<hbm>> -> memref<100000xf32, #tpu.memory_space<hbm>>
    tpu.enqueue_indirect_dma source(%dma_start3A_7 : memref<100000xf32, #tpu.memory_space<hbm>>) target(%dma_start3A_3 : memref<512xf32, #tpu.memory_space<vmem>>) offsets(%arg5 : memref<512xi32, #tpu.memory_space<vmem>>) semaphore(%arg7 : memref<!tpu.dma_semaphore, #tpu.memory_space<semaphore_mem>>)
    %dma_start3A_8 = arith.constant 512 : i32
    %dma_start3A_9 = tpu.memref_slice %arg6[%dma_start3A_8] : memref<8192xf32, #tpu.memory_space<vmem>> -> memref<512xf32, #tpu.memory_space<vmem>>
    %dma_start3A_10 = arith.constant 100000 : i32
    %dma_start3A_11 = tpu.memref_slice %arg2[%dma_start3A_10] : memref<1600000xf32, #tpu.memory_space<hbm>> -> memref<100000xf32, #tpu.memory_space<hbm>>
    %dma_start3A_12 = arith.constant 0 : i32
    %dma_start3A_13 = tpu.memref_slice %dma_start3A_11[%dma_start3A_12] : memref<100000xf32, #tpu.memory_space<hbm>> -> memref<100000xf32, #tpu.memory_space<hbm>>
    tpu.enqueue_indirect_dma source(%dma_start3A_13 : memref<100000xf32, #tpu.memory_space<hbm>>) target(%dma_start3A_9 : memref<512xf32, #tpu.memory_space<vmem>>) offsets(%arg5 : memref<512xi32, #tpu.memory_space<vmem>>) semaphore(%arg8 : memref<!tpu.dma_semaphore, #tpu.memory_space<semaphore_mem>>)
    %dma_start3A_14 = arith.constant 1024 : i32
    %dma_start3A_15 = tpu.memref_slice %arg6[%dma_start3A_14] : memref<8192xf32, #tpu.memory_space<vmem>> -> memref<512xf32, #tpu.memory_space<vmem>>
    %dma_start3A_16 = arith.constant 200000 : i32
    %dma_start3A_17 = tpu.memref_slice %arg2[%dma_start3A_16] : memref<1600000xf32, #tpu.memory_space<hbm>> -> memref<100000xf32, #tpu.memory_space<hbm>>
    %dma_start3A_18 = arith.constant 0 : i32
    %dma_start3A_19 = tpu.memref_slice %dma_start3A_17[%dma_start3A_18] : memref<100000xf32, #tpu.memory_space<hbm>> -> memref<100000xf32, #tpu.memory_space<hbm>>
    tpu.enqueue_indirect_dma source(%dma_start3A_19 : memref<100000xf32, #tpu.memory_space<hbm>>) target(%dma_start3A_15 : memref<512xf32, #tpu.memory_space<vmem>>) offsets(%arg5 : memref<512xi32, #tpu.memory_space<vmem>>) semaphore(%arg9 : memref<!tpu.dma_semaphore, #tpu.memory_space<semaphore_mem>>)
    %dma_start3A_20 = arith.constant 1536 : i32
    %dma_start3A_21 = tpu.memref_slice %arg6[%dma_start3A_20] : memref<8192xf32, #tpu.memory_space<vmem>> -> memref<512xf32, #tpu.memory_space<vmem>>
    %dma_start3A_22 = arith.constant 300000 : i32
    %dma_start3A_23 = tpu.memref_slice %arg2[%dma_start3A_22] : memref<1600000xf32, #tpu.memory_space<hbm>> -> memref<100000xf32, #tpu.memory_space<hbm>>
    %dma_start3A_24 = arith.constant 0 : i32
    %dma_start3A_25 = tpu.memref_slice %dma_start3A_23[%dma_start3A_24] : memref<100000xf32, #tpu.memory_space<hbm>> -> memref<100000xf32, #tpu.memory_space<hbm>>
    tpu.enqueue_indirect_dma source(%dma_start3A_25 : memref<100000xf32, #tpu.memory_space<hbm>>) target(%dma_start3A_21 : memref<512xf32, #tpu.memory_space<vmem>>) offsets(%arg5 : memref<512xi32, #tpu.memory_space<vmem>>) semaphore(%arg10 : memref<!tpu.dma_semaphore, #tpu.memory_space<semaphore_mem>>)
    %dma_start3A_26 = arith.constant 2048 : i32
    %dma_start3A_27 = tpu.memref_slice %arg6[%dma_start3A_26] : memref<8192xf32, #tpu.memory_space<vmem>> -> memref<512xf32, #tpu.memory_space<vmem>>
    %dma_start3A_28 = arith.constant 400000 : i32
    %dma_start3A_29 = tpu.memref_slice %arg2[%dma_start3A_28] : memref<1600000xf32, #tpu.memory_space<hbm>> -> memref<100000xf32, #tpu.memory_space<hbm>>
    %dma_start3A_30 = arith.constant 0 : i32
    %dma_start3A_31 = tpu.memref_slice %dma_start3A_29[%dma_start3A_30] : memref<100000xf32, #tpu.memory_space<hbm>> -> memref<100000xf32, #tpu.memory_space<hbm>>
    tpu.enqueue_indirect_dma source(%dma_start3A_31 : memref<100000xf32, #tpu.memory_space<hbm>>) target(%dma_start3A_27 : memref<512xf32, #tpu.memory_space<vmem>>) offsets(%arg5 : memref<512xi32, #tpu.memory_space<vmem>>) semaphore(%arg11 : memref<!tpu.dma_semaphore, #tpu.memory_space<semaphore_mem>>)
    %dma_start3A_32 = arith.constant 2560 : i32
    %dma_start3A_33 = tpu.memref_slice %arg6[%dma_start3A_32] : memref<8192xf32, #tpu.memory_space<vmem>> -> memref<512xf32, #tpu.memory_space<vmem>>
    %dma_start3A_34 = arith.constant 500000 : i32
    %dma_start3A_35 = tpu.memref_slice %arg2[%dma_start3A_34] : memref<1600000xf32, #tpu.memory_space<hbm>> -> memref<100000xf32, #tpu.memory_space<hbm>>
    %dma_start3A_36 = arith.constant 0 : i32
    %dma_start3A_37 = tpu.memref_slice %dma_start3A_35[%dma_start3A_36] : memref<100000xf32, #tpu.memory_space<hbm>> -> memref<100000xf32, #tpu.memory_space<hbm>>
    tpu.enqueue_indirect_dma source(%dma_start3A_37 : memref<100000xf32, #tpu.memory_space<hbm>>) target(%dma_start3A_33 : memref<512xf32, #tpu.memory_space<vmem>>) offsets(%arg5 : memref<512xi32, #tpu.memory_space<vmem>>) semaphore(%arg12 : memref<!tpu.dma_semaphore, #tpu.memory_space<semaphore_mem>>)
    %dma_start3A_38 = arith.constant 3072 : i32
    %dma_start3A_39 = tpu.memref_slice %arg6[%dma_start3A_38] : memref<8192xf32, #tpu.memory_space<vmem>> -> memref<512xf32, #tpu.memory_space<vmem>>
    %dma_start3A_40 = arith.constant 600000 : i32
    %dma_start3A_41 = tpu.memref_slice %arg2[%dma_start3A_40] : memref<1600000xf32, #tpu.memory_space<hbm>> -> memref<100000xf32, #tpu.memory_space<hbm>>
    %dma_start3A_42 = arith.constant 0 : i32
    %dma_start3A_43 = tpu.memref_slice %dma_start3A_41[%dma_start3A_42] : memref<100000xf32, #tpu.memory_space<hbm>> -> memref<100000xf32, #tpu.memory_space<hbm>>
    tpu.enqueue_indirect_dma source(%dma_start3A_43 : memref<100000xf32, #tpu.memory_space<hbm>>) target(%dma_start3A_39 : memref<512xf32, #tpu.memory_space<vmem>>) offsets(%arg5 : memref<512xi32, #tpu.memory_space<vmem>>) semaphore(%arg13 : memref<!tpu.dma_semaphore, #tpu.memory_space<semaphore_mem>>)
    %dma_start3A_44 = arith.constant 3584 : i32
    %dma_start3A_45 = tpu.memref_slice %arg6[%dma_start3A_44] : memref<8192xf32, #tpu.memory_space<vmem>> -> memref<512xf32, #tpu.memory_space<vmem>>
    %dma_start3A_46 = arith.constant 700000 : i32
    %dma_start3A_47 = tpu.memref_slice %arg2[%dma_start3A_46] : memref<1600000xf32, #tpu.memory_space<hbm>> -> memref<100000xf32, #tpu.memory_space<hbm>>
    %dma_start3A_48 = arith.constant 0 : i32
    %dma_start3A_49 = tpu.memref_slice %dma_start3A_47[%dma_start3A_48] : memref<100000xf32, #tpu.memory_space<hbm>> -> memref<100000xf32, #tpu.memory_space<hbm>>
    tpu.enqueue_indirect_dma source(%dma_start3A_49 : memref<100000xf32, #tpu.memory_space<hbm>>) target(%dma_start3A_45 : memref<512xf32, #tpu.memory_space<vmem>>) offsets(%arg5 : memref<512xi32, #tpu.memory_space<vmem>>) semaphore(%arg14 : memref<!tpu.dma_semaphore, #tpu.memory_space<semaphore_mem>>)
    %dma_start3A_50 = arith.constant 4096 : i32
    %dma_start3A_51 = tpu.memref_slice %arg6[%dma_start3A_50] : memref<8192xf32, #tpu.memory_space<vmem>> -> memref<512xf32, #tpu.memory_space<vmem>>
    %dma_start3A_52 = arith.constant 800000 : i32
    %dma_start3A_53 = tpu.memref_slice %arg2[%dma_start3A_52] : memref<1600000xf32, #tpu.memory_space<hbm>> -> memref<100000xf32, #tpu.memory_space<hbm>>
    %dma_start3A_54 = arith.constant 0 : i32
    %dma_start3A_55 = tpu.memref_slice %dma_start3A_53[%dma_start3A_54] : memref<100000xf32, #tpu.memory_space<hbm>> -> memref<100000xf32, #tpu.memory_space<hbm>>
    tpu.enqueue_indirect_dma source(%dma_start3A_55 : memref<100000xf32, #tpu.memory_space<hbm>>) target(%dma_start3A_51 : memref<512xf32, #tpu.memory_space<vmem>>) offsets(%arg5 : memref<512xi32, #tpu.memory_space<vmem>>) semaphore(%arg15 : memref<!tpu.dma_semaphore, #tpu.memory_space<semaphore_mem>>)
    %dma_start3A_56 = arith.constant 4608 : i32
    %dma_start3A_57 = tpu.memref_slice %arg6[%dma_start3A_56] : memref<8192xf32, #tpu.memory_space<vmem>> -> memref<512xf32, #tpu.memory_space<vmem>>
    %dma_start3A_58 = arith.constant 900000 : i32
    %dma_start3A_59 = tpu.memref_slice %arg2[%dma_start3A_58] : memref<1600000xf32, #tpu.memory_space<hbm>> -> memref<100000xf32, #tpu.memory_space<hbm>>
    %dma_start3A_60 = arith.constant 0 : i32
    %dma_start3A_61 = tpu.memref_slice %dma_start3A_59[%dma_start3A_60] : memref<100000xf32, #tpu.memory_space<hbm>> -> memref<100000xf32, #tpu.memory_space<hbm>>
    tpu.enqueue_indirect_dma source(%dma_start3A_61 : memref<100000xf32, #tpu.memory_space<hbm>>) target(%dma_start3A_57 : memref<512xf32, #tpu.memory_space<vmem>>) offsets(%arg5 : memref<512xi32, #tpu.memory_space<vmem>>) semaphore(%arg16 : memref<!tpu.dma_semaphore, #tpu.memory_space<semaphore_mem>>)
    %dma_start3A_62 = arith.constant 5120 : i32
    %dma_start3A_63 = tpu.memref_slice %arg6[%dma_start3A_62] : memref<8192xf32, #tpu.memory_space<vmem>> -> memref<512xf32, #tpu.memory_space<vmem>>
    %dma_start3A_64 = arith.constant 1000000 : i32
    %dma_start3A_65 = tpu.memref_slice %arg2[%dma_start3A_64] : memref<1600000xf32, #tpu.memory_space<hbm>> -> memref<100000xf32, #tpu.memory_space<hbm>>
    %dma_start3A_66 = arith.constant 0 : i32
    %dma_start3A_67 = tpu.memref_slice %dma_start3A_65[%dma_start3A_66] : memref<100000xf32, #tpu.memory_space<hbm>> -> memref<100000xf32, #tpu.memory_space<hbm>>
    tpu.enqueue_indirect_dma source(%dma_start3A_67 : memref<100000xf32, #tpu.memory_space<hbm>>) target(%dma_start3A_63 : memref<512xf32, #tpu.memory_space<vmem>>) offsets(%arg5 : memref<512xi32, #tpu.memory_space<vmem>>) semaphore(%arg17 : memref<!tpu.dma_semaphore, #tpu.memory_space<semaphore_mem>>)
    %dma_start3A_68 = arith.constant 5632 : i32
    %dma_start3A_69 = tpu.memref_slice %arg6[%dma_start3A_68] : memref<8192xf32, #tpu.memory_space<vmem>> -> memref<512xf32, #tpu.memory_space<vmem>>
    %dma_start3A_70 = arith.constant 1100000 : i32
    %dma_start3A_71 = tpu.memref_slice %arg2[%dma_start3A_70] : memref<1600000xf32, #tpu.memory_space<hbm>> -> memref<100000xf32, #tpu.memory_space<hbm>>
    %dma_start3A_72 = arith.constant 0 : i32
    %dma_start3A_73 = tpu.memref_slice %dma_start3A_71[%dma_start3A_72] : memref<100000xf32, #tpu.memory_space<hbm>> -> memref<100000xf32, #tpu.memory_space<hbm>>
    tpu.enqueue_indirect_dma source(%dma_start3A_73 : memref<100000xf32, #tpu.memory_space<hbm>>) target(%dma_start3A_69 : memref<512xf32, #tpu.memory_space<vmem>>) offsets(%arg5 : memref<512xi32, #tpu.memory_space<vmem>>) semaphore(%arg18 : memref<!tpu.dma_semaphore, #tpu.memory_space<semaphore_mem>>)
    %dma_start3A_74 = arith.constant 6144 : i32
    %dma_start3A_75 = tpu.memref_slice %arg6[%dma_start3A_74] : memref<8192xf32, #tpu.memory_space<vmem>> -> memref<512xf32, #tpu.memory_space<vmem>>
    %dma_start3A_76 = arith.constant 1200000 : i32
    %dma_start3A_77 = tpu.memref_slice %arg2[%dma_start3A_76] : memref<1600000xf32, #tpu.memory_space<hbm>> -> memref<100000xf32, #tpu.memory_space<hbm>>
    %dma_start3A_78 = arith.constant 0 : i32
    %dma_start3A_79 = tpu.memref_slice %dma_start3A_77[%dma_start3A_78] : memref<100000xf32, #tpu.memory_space<hbm>> -> memref<100000xf32, #tpu.memory_space<hbm>>
    tpu.enqueue_indirect_dma source(%dma_start3A_79 : memref<100000xf32, #tpu.memory_space<hbm>>) target(%dma_start3A_75 : memref<512xf32, #tpu.memory_space<vmem>>) offsets(%arg5 : memref<512xi32, #tpu.memory_space<vmem>>) semaphore(%arg19 : memref<!tpu.dma_semaphore, #tpu.memory_space<semaphore_mem>>)
    %dma_start3A_80 = arith.constant 6656 : i32
    %dma_start3A_81 = tpu.memref_slice %arg6[%dma_start3A_80] : memref<8192xf32, #tpu.memory_space<vmem>> -> memref<512xf32, #tpu.memory_space<vmem>>
    %dma_start3A_82 = arith.constant 1300000 : i32
    %dma_start3A_83 = tpu.memref_slice %arg2[%dma_start3A_82] : memref<1600000xf32, #tpu.memory_space<hbm>> -> memref<100000xf32, #tpu.memory_space<hbm>>
    %dma_start3A_84 = arith.constant 0 : i32
    %dma_start3A_85 = tpu.memref_slice %dma_start3A_83[%dma_start3A_84] : memref<100000xf32, #tpu.memory_space<hbm>> -> memref<100000xf32, #tpu.memory_space<hbm>>
    tpu.enqueue_indirect_dma source(%dma_start3A_85 : memref<100000xf32, #tpu.memory_space<hbm>>) target(%dma_start3A_81 : memref<512xf32, #tpu.memory_space<vmem>>) offsets(%arg5 : memref<512xi32, #tpu.memory_space<vmem>>) semaphore(%arg20 : memref<!tpu.dma_semaphore, #tpu.memory_space<semaphore_mem>>)
    %dma_start3A_86 = arith.constant 7168 : i32
    %dma_start3A_87 = tpu.memref_slice %arg6[%dma_start3A_86] : memref<8192xf32, #tpu.memory_space<vmem>> -> memref<512xf32, #tpu.memory_space<vmem>>
    %dma_start3A_88 = arith.constant 1400000 : i32
    %dma_start3A_89 = tpu.memref_slice %arg2[%dma_start3A_88] : memref<1600000xf32, #tpu.memory_space<hbm>> -> memref<100000xf32, #tpu.memory_space<hbm>>
    %dma_start3A_90 = arith.constant 0 : i32
    %dma_start3A_91 = tpu.memref_slice %dma_start3A_89[%dma_start3A_90] : memref<100000xf32, #tpu.memory_space<hbm>> -> memref<100000xf32, #tpu.memory_space<hbm>>
    tpu.enqueue_indirect_dma source(%dma_start3A_91 : memref<100000xf32, #tpu.memory_space<hbm>>) target(%dma_start3A_87 : memref<512xf32, #tpu.memory_space<vmem>>) offsets(%arg5 : memref<512xi32, #tpu.memory_space<vmem>>) semaphore(%arg21 : memref<!tpu.dma_semaphore, #tpu.memory_space<semaphore_mem>>)
    %dma_start3A_92 = arith.constant 7680 : i32
    %dma_start3A_93 = tpu.memref_slice %arg6[%dma_start3A_92] : memref<8192xf32, #tpu.memory_space<vmem>> -> memref<512xf32, #tpu.memory_space<vmem>>
    %dma_start3A_94 = arith.constant 1500000 : i32
    %dma_start3A_95 = tpu.memref_slice %arg2[%dma_start3A_94] : memref<1600000xf32, #tpu.memory_space<hbm>> -> memref<100000xf32, #tpu.memory_space<hbm>>
    %dma_start3A_96 = arith.constant 0 : i32
    %dma_start3A_97 = tpu.memref_slice %dma_start3A_95[%dma_start3A_96] : memref<100000xf32, #tpu.memory_space<hbm>> -> memref<100000xf32, #tpu.memory_space<hbm>>
    tpu.enqueue_indirect_dma source(%dma_start3A_97 : memref<100000xf32, #tpu.memory_space<hbm>>) target(%dma_start3A_93 : memref<512xf32, #tpu.memory_space<vmem>>) offsets(%arg5 : memref<512xi32, #tpu.memory_space<vmem>>) semaphore(%arg22 : memref<!tpu.dma_semaphore, #tpu.memory_space<semaphore_mem>>)
    %dma_wait3A = arith.constant 0 : i32
    %dma_wait3A_98 = tpu.memref_slice %arg6[%dma_wait3A] : memref<8192xf32, #tpu.memory_space<vmem>> -> memref<512xf32, #tpu.memory_space<vmem>>
    %dma_wait3A_99 = arith.constant 0 : i32
    %dma_wait3A_100 = tpu.memref_slice %arg2[%dma_wait3A_99] : memref<1600000xf32, #tpu.memory_space<hbm>> -> memref<100000xf32, #tpu.memory_space<hbm>>
    %dma_wait3A_101 = arith.constant 0 : i32
    %dma_wait3A_102 = tpu.memref_slice %dma_wait3A_100[%dma_wait3A_101] : memref<100000xf32, #tpu.memory_space<hbm>> -> memref<100000xf32, #tpu.memory_space<hbm>>
    tpu.wait_indirect_dma semaphore(%arg7 : memref<!tpu.dma_semaphore, #tpu.memory_space<semaphore_mem>>) src(%dma_wait3A_102 : memref<100000xf32, #tpu.memory_space<hbm>>) dst(%dma_wait3A_98 : memref<512xf32, #tpu.memory_space<vmem>>)
    %dma_wait3A_103 = arith.constant 512 : i32
    %dma_wait3A_104 = tpu.memref_slice %arg6[%dma_wait3A_103] : memref<8192xf32, #tpu.memory_space<vmem>> -> memref<512xf32, #tpu.memory_space<vmem>>
    %dma_wait3A_105 = arith.constant 100000 : i32
    %dma_wait3A_106 = tpu.memref_slice %arg2[%dma_wait3A_105] : memref<1600000xf32, #tpu.memory_space<hbm>> -> memref<100000xf32, #tpu.memory_space<hbm>>
    %dma_wait3A_107 = arith.constant 0 : i32
    %dma_wait3A_108 = tpu.memref_slice %dma_wait3A_106[%dma_wait3A_107] : memref<100000xf32, #tpu.memory_space<hbm>> -> memref<100000xf32, #tpu.memory_space<hbm>>
    tpu.wait_indirect_dma semaphore(%arg8 : memref<!tpu.dma_semaphore, #tpu.memory_space<semaphore_mem>>) src(%dma_wait3A_108 : memref<100000xf32, #tpu.memory_space<hbm>>) dst(%dma_wait3A_104 : memref<512xf32, #tpu.memory_space<vmem>>)
    %dma_wait3A_109 = arith.constant 1024 : i32
    %dma_wait3A_110 = tpu.memref_slice %arg6[%dma_wait3A_109] : memref<8192xf32, #tpu.memory_space<vmem>> -> memref<512xf32, #tpu.memory_space<vmem>>
    %dma_wait3A_111 = arith.constant 200000 : i32
    %dma_wait3A_112 = tpu.memref_slice %arg2[%dma_wait3A_111] : memref<1600000xf32, #tpu.memory_space<hbm>> -> memref<100000xf32, #tpu.memory_space<hbm>>
    %dma_wait3A_113 = arith.constant 0 : i32
    %dma_wait3A_114 = tpu.memref_slice %dma_wait3A_112[%dma_wait3A_113] : memref<100000xf32, #tpu.memory_space<hbm>> -> memref<100000xf32, #tpu.memory_space<hbm>>
    tpu.wait_indirect_dma semaphore(%arg9 : memref<!tpu.dma_semaphore, #tpu.memory_space<semaphore_mem>>) src(%dma_wait3A_114 : memref<100000xf32, #tpu.memory_space<hbm>>) dst(%dma_wait3A_110 : memref<512xf32, #tpu.memory_space<vmem>>)
    %dma_wait3A_115 = arith.constant 1536 : i32
    %dma_wait3A_116 = tpu.memref_slice %arg6[%dma_wait3A_115] : memref<8192xf32, #tpu.memory_space<vmem>> -> memref<512xf32, #tpu.memory_space<vmem>>
    %dma_wait3A_117 = arith.constant 300000 : i32
    %dma_wait3A_118 = tpu.memref_slice %arg2[%dma_wait3A_117] : memref<1600000xf32, #tpu.memory_space<hbm>> -> memref<100000xf32, #tpu.memory_space<hbm>>
    %dma_wait3A_119 = arith.constant 0 : i32
    %dma_wait3A_120 = tpu.memref_slice %dma_wait3A_118[%dma_wait3A_119] : memref<100000xf32, #tpu.memory_space<hbm>> -> memref<100000xf32, #tpu.memory_space<hbm>>
    tpu.wait_indirect_dma semaphore(%arg10 : memref<!tpu.dma_semaphore, #tpu.memory_space<semaphore_mem>>) src(%dma_wait3A_120 : memref<100000xf32, #tpu.memory_space<hbm>>) dst(%dma_wait3A_116 : memref<512xf32, #tpu.memory_space<vmem>>)
    %dma_wait3A_121 = arith.constant 2048 : i32
    %dma_wait3A_122 = tpu.memref_slice %arg6[%dma_wait3A_121] : memref<8192xf32, #tpu.memory_space<vmem>> -> memref<512xf32, #tpu.memory_space<vmem>>
    %dma_wait3A_123 = arith.constant 400000 : i32
    %dma_wait3A_124 = tpu.memref_slice %arg2[%dma_wait3A_123] : memref<1600000xf32, #tpu.memory_space<hbm>> -> memref<100000xf32, #tpu.memory_space<hbm>>
    %dma_wait3A_125 = arith.constant 0 : i32
    %dma_wait3A_126 = tpu.memref_slice %dma_wait3A_124[%dma_wait3A_125] : memref<100000xf32, #tpu.memory_space<hbm>> -> memref<100000xf32, #tpu.memory_space<hbm>>
    tpu.wait_indirect_dma semaphore(%arg11 : memref<!tpu.dma_semaphore, #tpu.memory_space<semaphore_mem>>) src(%dma_wait3A_126 : memref<100000xf32, #tpu.memory_space<hbm>>) dst(%dma_wait3A_122 : memref<512xf32, #tpu.memory_space<vmem>>)
    %dma_wait3A_127 = arith.constant 2560 : i32
    %dma_wait3A_128 = tpu.memref_slice %arg6[%dma_wait3A_127] : memref<8192xf32, #tpu.memory_space<vmem>> -> memref<512xf32, #tpu.memory_space<vmem>>
    %dma_wait3A_129 = arith.constant 500000 : i32
    %dma_wait3A_130 = tpu.memref_slice %arg2[%dma_wait3A_129] : memref<1600000xf32, #tpu.memory_space<hbm>> -> memref<100000xf32, #tpu.memory_space<hbm>>
    %dma_wait3A_131 = arith.constant 0 : i32
    %dma_wait3A_132 = tpu.memref_slice %dma_wait3A_130[%dma_wait3A_131] : memref<100000xf32, #tpu.memory_space<hbm>> -> memref<100000xf32, #tpu.memory_space<hbm>>
    tpu.wait_indirect_dma semaphore(%arg12 : memref<!tpu.dma_semaphore, #tpu.memory_space<semaphore_mem>>) src(%dma_wait3A_132 : memref<100000xf32, #tpu.memory_space<hbm>>) dst(%dma_wait3A_128 : memref<512xf32, #tpu.memory_space<vmem>>)
    %dma_wait3A_133 = arith.constant 3072 : i32
    %dma_wait3A_134 = tpu.memref_slice %arg6[%dma_wait3A_133] : memref<8192xf32, #tpu.memory_space<vmem>> -> memref<512xf32, #tpu.memory_space<vmem>>
    %dma_wait3A_135 = arith.constant 600000 : i32
    %dma_wait3A_136 = tpu.memref_slice %arg2[%dma_wait3A_135] : memref<1600000xf32, #tpu.memory_space<hbm>> -> memref<100000xf32, #tpu.memory_space<hbm>>
    %dma_wait3A_137 = arith.constant 0 : i32
    %dma_wait3A_138 = tpu.memref_slice %dma_wait3A_136[%dma_wait3A_137] : memref<100000xf32, #tpu.memory_space<hbm>> -> memref<100000xf32, #tpu.memory_space<hbm>>
    tpu.wait_indirect_dma semaphore(%arg13 : memref<!tpu.dma_semaphore, #tpu.memory_space<semaphore_mem>>) src(%dma_wait3A_138 : memref<100000xf32, #tpu.memory_space<hbm>>) dst(%dma_wait3A_134 : memref<512xf32, #tpu.memory_space<vmem>>)
    %dma_wait3A_139 = arith.constant 3584 : i32
    %dma_wait3A_140 = tpu.memref_slice %arg6[%dma_wait3A_139] : memref<8192xf32, #tpu.memory_space<vmem>> -> memref<512xf32, #tpu.memory_space<vmem>>
    %dma_wait3A_141 = arith.constant 700000 : i32
    %dma_wait3A_142 = tpu.memref_slice %arg2[%dma_wait3A_141] : memref<1600000xf32, #tpu.memory_space<hbm>> -> memref<100000xf32, #tpu.memory_space<hbm>>
    %dma_wait3A_143 = arith.constant 0 : i32
    %dma_wait3A_144 = tpu.memref_slice %dma_wait3A_142[%dma_wait3A_143] : memref<100000xf32, #tpu.memory_space<hbm>> -> memref<100000xf32, #tpu.memory_space<hbm>>
    tpu.wait_indirect_dma semaphore(%arg14 : memref<!tpu.dma_semaphore, #tpu.memory_space<semaphore_mem>>) src(%dma_wait3A_144 : memref<100000xf32, #tpu.memory_space<hbm>>) dst(%dma_wait3A_140 : memref<512xf32, #tpu.memory_space<vmem>>)
    %mul3A_145 = arith.constant 16 : i32
    %mul3A_146 = arith.muli %add3A, %mul3A_145 : i32
    %mul3A_147 = arith.constant 512 : i32
    %mul3A_148 = arith.muli %mul3A_146, %mul3A_147 : i32
    %dma_start3A_149 = arith.constant 0 : i32
    %dma_start3A_150 = tpu.memref_slice %arg6[%dma_start3A_149] : memref<8192xf32, #tpu.memory_space<vmem>> -> memref<4096xf32, #tpu.memory_space<vmem>>
    %dma_start3A_151 = tpu.memref_slice %arg4[%mul3A_148] : memref<262144xf32, #tpu.memory_space<hbm>> -> memref<4096xf32, #tpu.memory_space<hbm>>
    %dma_start3A_152 = tpu.memref_slice %arg4[%mul3A_148] : memref<262144xf32, #tpu.memory_space<hbm>> -> memref<4096xf32, #tpu.memory_space<hbm>>
    %dma_start3A_153 = arith.constant 0 : i32
    %dma_start3A_154 = tpu.memref_slice %arg6[%dma_start3A_153] : memref<8192xf32, #tpu.memory_space<vmem>> -> memref<4096xf32, #tpu.memory_space<vmem>>
    tpu.enqueue_dma source(%dma_start3A_154 : memref<4096xf32, #tpu.memory_space<vmem>>) target(%dma_start3A_152 : memref<4096xf32, #tpu.memory_space<hbm>>) target_semaphore(%arg23 : memref<!tpu.dma_semaphore, #tpu.memory_space<semaphore_mem>>)
    %dma_wait3A_155 = arith.constant 4096 : i32
    %dma_wait3A_156 = tpu.memref_slice %arg6[%dma_wait3A_155] : memref<8192xf32, #tpu.memory_space<vmem>> -> memref<512xf32, #tpu.memory_space<vmem>>
    %dma_wait3A_157 = arith.constant 800000 : i32
    %dma_wait3A_158 = tpu.memref_slice %arg2[%dma_wait3A_157] : memref<1600000xf32, #tpu.memory_space<hbm>> -> memref<100000xf32, #tpu.memory_space<hbm>>
    %dma_wait3A_159 = arith.constant 0 : i32
    %dma_wait3A_160 = tpu.memref_slice %dma_wait3A_158[%dma_wait3A_159] : memref<100000xf32, #tpu.memory_space<hbm>> -> memref<100000xf32, #tpu.memory_space<hbm>>
    tpu.wait_indirect_dma semaphore(%arg15 : memref<!tpu.dma_semaphore, #tpu.memory_space<semaphore_mem>>) src(%dma_wait3A_160 : memref<100000xf32, #tpu.memory_space<hbm>>) dst(%dma_wait3A_156 : memref<512xf32, #tpu.memory_space<vmem>>)
    %dma_wait3A_161 = arith.constant 4608 : i32
    %dma_wait3A_162 = tpu.memref_slice %arg6[%dma_wait3A_161] : memref<8192xf32, #tpu.memory_space<vmem>> -> memref<512xf32, #tpu.memory_space<vmem>>
    %dma_wait3A_163 = arith.constant 900000 : i32
    %dma_wait3A_164 = tpu.memref_slice %arg2[%dma_wait3A_163] : memref<1600000xf32, #tpu.memory_space<hbm>> -> memref<100000xf32, #tpu.memory_space<hbm>>
    %dma_wait3A_165 = arith.constant 0 : i32
    %dma_wait3A_166 = tpu.memref_slice %dma_wait3A_164[%dma_wait3A_165] : memref<100000xf32, #tpu.memory_space<hbm>> -> memref<100000xf32, #tpu.memory_space<hbm>>
    tpu.wait_indirect_dma semaphore(%arg16 : memref<!tpu.dma_semaphore, #tpu.memory_space<semaphore_mem>>) src(%dma_wait3A_166 : memref<100000xf32, #tpu.memory_space<hbm>>) dst(%dma_wait3A_162 : memref<512xf32, #tpu.memory_space<vmem>>)
    %dma_wait3A_167 = arith.constant 5120 : i32
    %dma_wait3A_168 = tpu.memref_slice %arg6[%dma_wait3A_167] : memref<8192xf32, #tpu.memory_space<vmem>> -> memref<512xf32, #tpu.memory_space<vmem>>
    %dma_wait3A_169 = arith.constant 1000000 : i32
    %dma_wait3A_170 = tpu.memref_slice %arg2[%dma_wait3A_169] : memref<1600000xf32, #tpu.memory_space<hbm>> -> memref<100000xf32, #tpu.memory_space<hbm>>
    %dma_wait3A_171 = arith.constant 0 : i32
    %dma_wait3A_172 = tpu.memref_slice %dma_wait3A_170[%dma_wait3A_171] : memref<100000xf32, #tpu.memory_space<hbm>> -> memref<100000xf32, #tpu.memory_space<hbm>>
    tpu.wait_indirect_dma semaphore(%arg17 : memref<!tpu.dma_semaphore, #tpu.memory_space<semaphore_mem>>) src(%dma_wait3A_172 : memref<100000xf32, #tpu.memory_space<hbm>>) dst(%dma_wait3A_168 : memref<512xf32, #tpu.memory_space<vmem>>)
    %dma_wait3A_173 = arith.constant 5632 : i32
    %dma_wait3A_174 = tpu.memref_slice %arg6[%dma_wait3A_173] : memref<8192xf32, #tpu.memory_space<vmem>> -> memref<512xf32, #tpu.memory_space<vmem>>
    %dma_wait3A_175 = arith.constant 1100000 : i32
    %dma_wait3A_176 = tpu.memref_slice %arg2[%dma_wait3A_175] : memref<1600000xf32, #tpu.memory_space<hbm>> -> memref<100000xf32, #tpu.memory_space<hbm>>
    %dma_wait3A_177 = arith.constant 0 : i32
    %dma_wait3A_178 = tpu.memref_slice %dma_wait3A_176[%dma_wait3A_177] : memref<100000xf32, #tpu.memory_space<hbm>> -> memref<100000xf32, #tpu.memory_space<hbm>>
    tpu.wait_indirect_dma semaphore(%arg18 : memref<!tpu.dma_semaphore, #tpu.memory_space<semaphore_mem>>) src(%dma_wait3A_178 : memref<100000xf32, #tpu.memory_space<hbm>>) dst(%dma_wait3A_174 : memref<512xf32, #tpu.memory_space<vmem>>)
    %dma_wait3A_179 = arith.constant 6144 : i32
    %dma_wait3A_180 = tpu.memref_slice %arg6[%dma_wait3A_179] : memref<8192xf32, #tpu.memory_space<vmem>> -> memref<512xf32, #tpu.memory_space<vmem>>
    %dma_wait3A_181 = arith.constant 1200000 : i32
    %dma_wait3A_182 = tpu.memref_slice %arg2[%dma_wait3A_181] : memref<1600000xf32, #tpu.memory_space<hbm>> -> memref<100000xf32, #tpu.memory_space<hbm>>
    %dma_wait3A_183 = arith.constant 0 : i32
    %dma_wait3A_184 = tpu.memref_slice %dma_wait3A_182[%dma_wait3A_183] : memref<100000xf32, #tpu.memory_space<hbm>> -> memref<100000xf32, #tpu.memory_space<hbm>>
    tpu.wait_indirect_dma semaphore(%arg19 : memref<!tpu.dma_semaphore, #tpu.memory_space<semaphore_mem>>) src(%dma_wait3A_184 : memref<100000xf32, #tpu.memory_space<hbm>>) dst(%dma_wait3A_180 : memref<512xf32, #tpu.memory_space<vmem>>)
    %dma_wait3A_185 = arith.constant 6656 : i32
    %dma_wait3A_186 = tpu.memref_slice %arg6[%dma_wait3A_185] : memref<8192xf32, #tpu.memory_space<vmem>> -> memref<512xf32, #tpu.memory_space<vmem>>
    %dma_wait3A_187 = arith.constant 1300000 : i32
    %dma_wait3A_188 = tpu.memref_slice %arg2[%dma_wait3A_187] : memref<1600000xf32, #tpu.memory_space<hbm>> -> memref<100000xf32, #tpu.memory_space<hbm>>
    %dma_wait3A_189 = arith.constant 0 : i32
    %dma_wait3A_190 = tpu.memref_slice %dma_wait3A_188[%dma_wait3A_189] : memref<100000xf32, #tpu.memory_space<hbm>> -> memref<100000xf32, #tpu.memory_space<hbm>>
    tpu.wait_indirect_dma semaphore(%arg20 : memref<!tpu.dma_semaphore, #tpu.memory_space<semaphore_mem>>) src(%dma_wait3A_190 : memref<100000xf32, #tpu.memory_space<hbm>>) dst(%dma_wait3A_186 : memref<512xf32, #tpu.memory_space<vmem>>)
    %dma_wait3A_191 = arith.constant 7168 : i32
    %dma_wait3A_192 = tpu.memref_slice %arg6[%dma_wait3A_191] : memref<8192xf32, #tpu.memory_space<vmem>> -> memref<512xf32, #tpu.memory_space<vmem>>
    %dma_wait3A_193 = arith.constant 1400000 : i32
    %dma_wait3A_194 = tpu.memref_slice %arg2[%dma_wait3A_193] : memref<1600000xf32, #tpu.memory_space<hbm>> -> memref<100000xf32, #tpu.memory_space<hbm>>
    %dma_wait3A_195 = arith.constant 0 : i32
    %dma_wait3A_196 = tpu.memref_slice %dma_wait3A_194[%dma_wait3A_195] : memref<100000xf32, #tpu.memory_space<hbm>> -> memref<100000xf32, #tpu.memory_space<hbm>>
    tpu.wait_indirect_dma semaphore(%arg21 : memref<!tpu.dma_semaphore, #tpu.memory_space<semaphore_mem>>) src(%dma_wait3A_196 : memref<100000xf32, #tpu.memory_space<hbm>>) dst(%dma_wait3A_192 : memref<512xf32, #tpu.memory_space<vmem>>)
    %dma_wait3A_197 = arith.constant 7680 : i32
    %dma_wait3A_198 = tpu.memref_slice %arg6[%dma_wait3A_197] : memref<8192xf32, #tpu.memory_space<vmem>> -> memref<512xf32, #tpu.memory_space<vmem>>
    %dma_wait3A_199 = arith.constant 1500000 : i32
    %dma_wait3A_200 = tpu.memref_slice %arg2[%dma_wait3A_199] : memref<1600000xf32, #tpu.memory_space<hbm>> -> memref<100000xf32, #tpu.memory_space<hbm>>
    %dma_wait3A_201 = arith.constant 0 : i32
    %dma_wait3A_202 = tpu.memref_slice %dma_wait3A_200[%dma_wait3A_201] : memref<100000xf32, #tpu.memory_space<hbm>> -> memref<100000xf32, #tpu.memory_space<hbm>>
    tpu.wait_indirect_dma semaphore(%arg22 : memref<!tpu.dma_semaphore, #tpu.memory_space<semaphore_mem>>) src(%dma_wait3A_202 : memref<100000xf32, #tpu.memory_space<hbm>>) dst(%dma_wait3A_198 : memref<512xf32, #tpu.memory_space<vmem>>)
    %mul3A_203 = arith.constant 16 : i32
    %mul3A_204 = arith.muli %add3A, %mul3A_203 : i32
    %mul3A_205 = arith.constant 512 : i32
    %mul3A_206 = arith.muli %mul3A_204, %mul3A_205 : i32
    %add3A_207 = arith.constant 4096 : i32
    %add3A_208 = arith.addi %mul3A_206, %add3A_207 : i32
    %dma_start3A_209 = arith.constant 4096 : i32
    %dma_start3A_210 = tpu.memref_slice %arg6[%dma_start3A_209] : memref<8192xf32, #tpu.memory_space<vmem>> -> memref<4096xf32, #tpu.memory_space<vmem>>
    %dma_start3A_211 = tpu.memref_slice %arg4[%add3A_208] : memref<262144xf32, #tpu.memory_space<hbm>> -> memref<4096xf32, #tpu.memory_space<hbm>>
    %dma_start3A_212 = tpu.memref_slice %arg4[%add3A_208] : memref<262144xf32, #tpu.memory_space<hbm>> -> memref<4096xf32, #tpu.memory_space<hbm>>
    %dma_start3A_213 = arith.constant 4096 : i32
    %dma_start3A_214 = tpu.memref_slice %arg6[%dma_start3A_213] : memref<8192xf32, #tpu.memory_space<vmem>> -> memref<4096xf32, #tpu.memory_space<vmem>>
    tpu.enqueue_dma source(%dma_start3A_214 : memref<4096xf32, #tpu.memory_space<vmem>>) target(%dma_start3A_212 : memref<4096xf32, #tpu.memory_space<hbm>>) target_semaphore(%arg23 : memref<!tpu.dma_semaphore, #tpu.memory_space<semaphore_mem>>)
    %dma_wait3A_215 = arith.constant 0 : i32
    %dma_wait3A_216 = tpu.memref_slice %arg6[%dma_wait3A_215] : memref<8192xf32, #tpu.memory_space<vmem>> -> memref<4096xf32, #tpu.memory_space<vmem>>
    %dma_wait3A_217 = tpu.memref_slice %arg4[%mul3A_148] : memref<262144xf32, #tpu.memory_space<hbm>> -> memref<4096xf32, #tpu.memory_space<hbm>>
    %dma_wait3A_218 = tpu.memref_slice %arg4[%mul3A_148] : memref<262144xf32, #tpu.memory_space<hbm>> -> memref<4096xf32, #tpu.memory_space<hbm>>
    %dma_wait3A_219 = arith.constant 0 : i32
    %dma_wait3A_220 = tpu.memref_slice %arg6[%dma_wait3A_219] : memref<8192xf32, #tpu.memory_space<vmem>> -> memref<4096xf32, #tpu.memory_space<vmem>>
    tpu.wait_dma2 semaphore(%arg23 : memref<!tpu.dma_semaphore, #tpu.memory_space<semaphore_mem>>) src(%dma_wait3A_220 : memref<4096xf32, #tpu.memory_space<vmem>>) dst(%dma_wait3A_218 : memref<4096xf32, #tpu.memory_space<hbm>>)
    %dma_wait3A_221 = arith.constant 4096 : i32
    %dma_wait3A_222 = tpu.memref_slice %arg6[%dma_wait3A_221] : memref<8192xf32, #tpu.memory_space<vmem>> -> memref<4096xf32, #tpu.memory_space<vmem>>
    %dma_wait3A_223 = tpu.memref_slice %arg4[%add3A_208] : memref<262144xf32, #tpu.memory_space<hbm>> -> memref<4096xf32, #tpu.memory_space<hbm>>
    %dma_wait3A_224 = tpu.memref_slice %arg4[%add3A_208] : memref<262144xf32, #tpu.memory_space<hbm>> -> memref<4096xf32, #tpu.memory_space<hbm>>
    %dma_wait3A_225 = arith.constant 4096 : i32
    %dma_wait3A_226 = tpu.memref_slice %arg6[%dma_wait3A_225] : memref<8192xf32, #tpu.memory_space<vmem>> -> memref<4096xf32, #tpu.memory_space<vmem>>
    tpu.wait_dma2 semaphore(%arg23 : memref<!tpu.dma_semaphore, #tpu.memory_space<semaphore_mem>>) src(%dma_wait3A_226 : memref<4096xf32, #tpu.memory_space<vmem>>) dst(%dma_wait3A_224 : memref<4096xf32, #tpu.memory_space<hbm>>)
    return
  }
}

</mosaic_0001>

<sc_bundles>
// kernel: kernel.3.cloned.1.call-start
scs
__scs_entry_jumppad:
0x0: {  	(pc) =	sbr.rel $0x88, $3  }
0x1: {  	(tag) =	ssettag $0x0;
	lr =	simm.s32 $0x1  }
0x2: {  	[smem:$0x3F9F] =	sst lr;
	_ =	strace $0xD0000000  }
0x3: {  	_ = 	snop  }
0x4: {  	_ = 	snop  }
0x5: {  	_ = 	snop  }
0x6: {  	_ = 	snop  }
0x7: {  	_ = 	snop  }
__scs_overlays_trampoline_lowered:
0x8: {  	[smem:$0x3FAE] =	sst s0  }
0x9: {  	[smem:$0x3FAF] =	sst s1  }
0xa: {  	[smem:$0x3FB0] =	sst s2  }
0xb: {  	[smem:$0x3FB1] =	sst s3  }
0xc: {  	[smem:$0x3FB2] =	sst s4  }
0xd: {  	[smem:$0x3FB3] =	sst s5  }
0xe: {  	[smem:$0x3FB4] =	sst s6  }
0xf: {  	[smem:$0x3FB5] =	sst s7  }
0x10: {  	[smem:$0x3FB6] =	sst s8  }
0x11: {  	[smem:$0x3FB7] =	sst s9;
	s0 =	simm.s32 @!p0 $0x0  }
0x12: {  	s1 =	sld [smem:$0x3F9D];
	s0 =	simm.s32 @p0 $0x1  }
0x13: {  	[smem:$0x3FB8] =	sst s0;
	s0 =	simm.s32 @!p1 $0x0  }
0x14: {  	s2 =	sld [smem:$0x3F9C];
	s0 =	simm.s32 @p1 $0x1  }
0x15: {  	[smem:$0x3FB9] =	sst s0;
	s0 =	simm.s32 @!p2 $0x0  }
0x16: {  	s3 =	sld [smem:$0x3FDB];
	s0 =	simm.s32 @p2 $0x1  }
0x17: {  	s4 =	simm.s32 $0x1BF5;
	[smem:$0x3FBB] =	sst s0  }
0x18: {  	s0 =	sld [smem:$0x3F9E];
	_ =	swait.ge [sflag:s4], $0x0  }
0x19: {  	s7 =	sld [smem:$0x3F9F]  }
0x1a: {  	s8 =	sadd.s32 $0xFFFFE003, lr  }
0x1b: {  	s9 =	sadd.s32 $0xFFFFFEF7, lr;
	s5 =	simm.s32 $0xFFFFFFFF;
	p2 =	slt.u32 s8, $0xFFFFF086  }
0x1c: {  	p1 =	slt.u32 s9, $0xF7A;
	s5 =	simm.s32 @!p2 $0x0  }
0x1d: {  	s5 =	simm.s32 @p1 $0x1;
	p0 =	seq.s32 s7, s2  }
0x1e: {  	s7 =	smul.u32 @!p0 $0xF7A, s2;
	p2 =	seq.s32 @!p0 s5, $0x0  }
0x1f: {  	s9 =	smul.u32 $0xF7A, s1;
	s8 =	simm.s32 @!p0 $0x1BF5;
	p2 =	por !p2, p0  }
0x20: {  	[sflag:s8] =	ssyncset.s32 @!p0 $0xFFFFF086;
	s6 =	sadd.s32 @!p0 s3, s7;
	s7 =	simm.s32 @!p0 $0x108  }
0x21: {  	s3 =	sadd.s32 s3, s9;
	s6 =	sadd.s32 @!p0 $0x88, s6;
	s7 =	simm.s32 @p2 $0x1082  }
0x22: {  	[simem:s7], [sflag:s8] =	dma.local @!p0 [hbm:s6], $0xF7A  }
0x23: {  	s9 =	sor.u32 $0xD0000000, s2;
	s6 =	simm.s32 $0x108;
	_ =	swait.ge @!p0 [sflag:s8], $0x0  }
0x24: {  	s3 =	sadd.s32 $0x88, s3;
	s6 =	simm.s32 @!p1 $0x1082;
	[sflag:s4] =	ssyncset.s32 $0xFFFFF086  }
0x25: {  	[simem:s6], [sflag:s4] =	dma.local [hbm:s3], $0xF7A  }
0x26: {  	[smem:$0x3F9F] =	sst s1;
	(tag) =	ssettag s2;
	_ =	strace s9  }
0x27: {  	s1 =	sld [smem:$0x3FAF]  }
0x28: {  	s2 =	sld [smem:$0x3FB0]  }
0x29: {  	s4 =	sld [smem:$0x3FB2]  }
0x2a: {  	p0 =	seq.s32 s5, $0x0;
	s5 =	sld [smem:$0x3FB3]  }
0x2b: {  	s6 =	sld [smem:$0x3FB4]  }
0x2c: {  	s7 =	sld [smem:$0x3FB5]  }
0x2d: {  	s3 =	simm.s32 $0x108;
	s8 =	sld [smem:$0x3FB6]  }
0x2e: {  	s3 =	simm.s32 @!p0 $0x1082;
	s9 =	sld [smem:$0x3FB7]  }
0x2f: {  	lr =	sadd.s32 s0, s3;
	s0 =	sld [smem:$0x3FAE]  }
0x30: {  	s3 =	sld [smem:$0x3FB1]  }
0x31: {  	[smem:$0x3FBA] =	sst s10  }
0x32: {  	s10 =	sld [smem:$0x3FB8];
	_ =	sdelay $0x3  }
0x33: {  	p0 =	seq.s32 s10, $0x1;
	s10 =	sld [smem:$0x3FBA];
	_ =	sdelay $0x3  }
0x34: {  	[smem:$0x3FBA] =	sst s10  }
0x35: {  	s10 =	sld [smem:$0x3FB9];
	_ =	sdelay $0x3  }
0x36: {  	p1 =	seq.s32 s10, $0x1;
	s10 =	sld [smem:$0x3FBA];
	_ =	sdelay $0x3  }
0x37: {  	[smem:$0x3FBA] =	sst s10  }
0x38: {  	s10 =	sld [smem:$0x3FBB]  }
0x39: {  	_ = 	snop;
	(pc) =	sbr.ind lr, $3  }
0x3a: {  	_ = 	snop  }
0x3b: {  	_ = 	snop  }
0x3c: {  	p2 =	seq.s32 s10, $0x1;
	s10 =	sld [smem:$0x3FBA]  }
0x3d: {  	_ =	shalt  }
0x3e: {  	_ =	shalt  }
0x3f: {  	_ =	shalt  }
0x40: {  	_ =	shalt  }
0x41: {  	_ =	shalt  }
0x42: {  	_ =	shalt  }
0x43: {  	_ =	shalt  }
0x44: {  	_ =	shalt  }
0x45: {  	_ =	shalt  }
0x46: {  	_ =	shalt  }
0x47: {  	_ =	shalt  }
0x48: {  	_ =	shalt  }
0x49: {  	_ =	shalt  }
0x4a: {  	_ =	shalt  }
0x4b: {  	_ =	shalt  }
0x4c: {  	_ =	shalt  }
0x4d: {  	_ =	shalt  }
0x4e: {  	_ =	shalt  }
0x4f: {  	_ =	shalt  }
0x50: {  	_ =	shalt  }
0x51: {  	_ =	shalt  }
0x52: {  	_ =	shalt  }
0x53: {  	_ =	shalt  }
0x54: {  	_ =	shalt  }
0x55: {  	_ =	shalt  }
0x56: {  	_ =	shalt  }
0x57: {  	_ =	shalt  }
0x58: {  	_ =	shalt  }
0x59: {  	_ =	shalt  }
0x5a: {  	_ =	shalt  }
0x5b: {  	_ =	shalt  }
0x5c: {  	_ =	shalt  }
0x5d: {  	_ =	shalt  }
0x5e: {  	_ =	shalt  }
0x5f: {  	_ =	shalt  }
0x60: {  	_ =	shalt  }
0x61: {  	_ =	shalt  }
0x62: {  	_ =	shalt  }
0x63: {  	_ =	shalt  }
0x64: {  	_ =	shalt  }
0x65: {  	_ =	shalt  }
0x66: {  	_ =	shalt  }
0x67: {  	_ =	shalt  }
0x68: {  	_ =	shalt  }
0x69: {  	_ =	shalt  }
0x6a: {  	_ =	shalt  }
0x6b: {  	_ =	shalt  }
0x6c: {  	_ =	shalt  }
0x6d: {  	_ =	shalt  }
0x6e: {  	_ =	shalt  }
0x6f: {  	_ =	shalt  }
0x70: {  	_ =	shalt  }
0x71: {  	_ =	shalt  }
0x72: {  	_ =	shalt  }
0x73: {  	_ =	shalt  }
0x74: {  	_ =	shalt  }
0x75: {  	_ =	shalt  }
0x76: {  	_ =	shalt  }
0x77: {  	_ =	shalt  }
0x78: {  	_ =	shalt  }
0x79: {  	_ =	shalt  }
0x7a: {  	_ =	shalt  }
0x7b: {  	_ =	shalt  }
0x7c: {  	_ =	shalt  }
0x7d: {  	_ =	shalt  }
0x7e: {  	_ =	shalt  }
0x7f: {  	_ =	shalt  }
0x80: {  	_ =	shalt  }
0x81: {  	_ =	shalt  }
0x82: {  	_ =	shalt  }
0x83: {  	_ =	shalt  }
0x84: {  	_ =	shalt  }
0x85: {  	_ =	shalt  }
0x86: {  	_ =	shalt  }
0x87: {  	_ =	shalt  }
.Lfunc_end0:
.L_simem_size_0:
called_computation_lowered:
.L_overlay_start_0:
0x88: {  	s2 =	sld [smem:$0x3FD9]  }
0x89: {  	s3 =	sld [smem:$0x3FFE];
	_ =	sdelay $0x1  }
0x8a: {  	s1 =	srdreg.scid  }
0x8b: {  	s0 =	sand.u32 $0x1, s1  }
0x8c: {  	s17 =	sshll.u32 s0, $0xA;
	s2 =	sadd.s32 s3, s2  }
0x8d: {  	s2 =	sadd.s32 s2, s17  }
0x8e: {  	[smem:$0x3FC6] =	sst s2  }
0x8f: {  	_ = 	snop  }
0x90: {  	s2 =	sld [smem:$0x3FC9]  }
0x91: {  	s18 =	sld [smem:$0x3FD0];
	(tm) =	ssettm $0x1  }
0x92: {  	s4 =	sld [smem:$0x3FFB];
	_ =	sdelay $0x3  }
0x93: {  	_ =	strace s4  }
0x94: {  	s4 =	sld [smem:$0x3FFC];
	_ =	sdelay $0x3  }
0x95: {  	_ =	strace s4  }
0x96: {  	s4 =	sld [smem:$0x3FFD];
	_ =	sdelay $0x3  }
0x97: {  	_ =	strace s4  }
0x98: {  	_ =	strace $0x8FFFFFFF  }
0x99: {  	s19 =	sld [smem:$0x3FDB];
	_ =	sdelay $0x1  }
0x9a: {  	s5 =	simm.s32 $_scs_section_size  }
0x9b: {  	s6 =	simm.s32 $_size__tile_overlayer_lowered;
	s7 =	simm.s32 $_tile_overlayer_lowered  }
0x9c: {  	s22 =	simm.s32 $0x1BFF;
	s21 =	sshll.u32 s7, $0x1;
	s4 =	sadd.s32 s5, s19  }
0x9d: {  	s8 =	simm.s32 $0x0;
	s20 =	sshll.u32 s6, $0x1;
	s6 =	sadd.s32 s21, s4  }
0x9e: {  	[timem:s8], [sflag:s22] =	dma.local [hbm:s6], s20  }
0x9f: {  	_ =	swait.ge [sflag:s22], s20  }
0xa0: {  	s5 =	ssub.s32 $0x0, s20;
	[sflag:s22] =	ssyncset.done $0x0  }
0xa1: {  	[sflag:s22] =	ssyncadd.s32 s5;
	_ =	sdelay $0x1  }
0xa2: {  	s23 =	simm.s32 $0x1B8B  }
0xa3: {  	_ =	swait.ge [sflag:s23], $0x1  }
0xa4: {  	[sflag:s23] =	ssyncset.done $0x0  }
0xa5: {  	s25 =	simm.s32 $0x1B8E;
	s24 =	sld [smem:$0x3FFE];
	[sflag:s23] =	ssyncadd.s32 $0xFFFFFFFF  }
0xa6: {  	s26 =	simm.s32 $execute0_lowered;
	[smem:$0x3FD2] =	sst s25  }
0xa7: {  	s6 =	sshll.u32 s26, $0x1;
	_ =	strace $0x80000046;
	[dreg:$0x1] =	wrdreg $0xFFFFFFFF  }
0xa8: {  	s28 =	simm.s32 $_size_execute0_lowered;
	s4 =	sadd.s32 s4, s6;
	[dreg:$0x0] =	wrdreg $0x0  }
0xa9: {  	s6 =	sshll.u32 s28, $0x1;
	[dreg:$0x2] =	wrdreg s4  }
0xaa: {  	[dreg:$0x3] =	wrdreg s6  }
0xab: {  	[dreg:$0x4] =	wrdreg $0xC0  }
0xac: {  	_ =	task [dreg:s8], $0x5FFFF  }
0xad: {  	[dreg:$0x1] =	wrdreg $0xFFFFFFFF  }
0xae: {  	[dreg:$0x0] =	wrdreg $0x60  }
0xaf: {  	[dreg:$0x2] =	wrdreg s24  }
0xb0: {  	[dreg:$0x3] =	wrdreg s2  }
0xb1: {  	[dreg:$0x4] =	wrdreg s18  }
0xb2: {  	[dreg:$0x5] =	wrdreg $0x9  }
0xb3: {  	_ =	task.clear_ibuf [dreg:s8], $0x6FFFF;
	_ =	strace $0x90000046  }
0xb4: {  	s29 =	simm.s32 $0x9;
	_ =	strace $0x80000048  }
0xb5: {  	_ =	swait.ge [sflag:s29], $0x1  }
0xb6: {  	[sflag:s29] =	ssyncadd.s32 $0xFFFFFFFF  }
0xb7: {  	_ =	strace $0x90000048  }
0xb8: {  	_ =	sfence  }
0xb9: {  	s30 =	sld [smem:$0x0];
	_ =	sdelay $0x2  }
0xba: {  	s31 =	sshll.u32 s1, $0xD;
	s1 =	sshrl.u32 s1, $0x2  }
0xbb: {  	s3 =	sand.u32 $0x4000, s31;
	s1 =	sadd.s32 s1, s30  }
0xbc: {  	s0 =	sor.u32 s3, s0;
	s1 =	sshll.u32 s1, $0x11  }
0xbd: {  	s0 =	sor.u32 s1, s0  }
0xbe: {  	s0 =	sadd.s32 $0x8F2B, s0  }
0xbf: {  	[sflag:s0] =	ssyncadd.remote.s32 $0x1  }
0xc0: {  	_ =	sfence.sel $0xFFFF  }
0xc1: {  	[dreg:$0x0] =	wrdreg $0xFFFFFFFF;
	(pc) =	sbr.abs _section_cstart, $3  }
0xc2: {  	[dreg:$0x1] =	wrdreg $0xFFFFFFFF  }
0xc3: {  	_ =	task.clear_ibuf [dreg:s8], $0x2FFFF;
	_ =	strace $0x9FFFFFFF  }
0xc4: {  	(tm) =	ssettm $0x7FFFFFFF  }
0xc5: {  	_ =	shalt  }
tec
execute0_lowered:
.L_overlay_start_1:
0x0: {  	(tag) =	ssettag $0x1  }
0x1: {  	s3 =	rddreg [dreg:$0x0]  }
0x2: {  	s4 =	rddreg [dreg:$0x1]  }
0x3: {  	s5 =	rddreg [dreg:$0x2];
	s2 =	simm.s32 $0x0  }
0x4: {  	[smem:$0x7FF] =	sst s2;
	s7 =	sadd.s32 $0x400, s3  }
0x5: {  	s17 =	sadd.s32 $0x34D4, s3;
	_ =	strace $0x80000047;
	[dreg:$0x4] =	wrdreg s7  }
0x6: {  	s18 =	sadd.s32 $0x65A8, s3;
	[dreg:$0x6] =	wrdreg s17  }
0x7: {  	s19 =	sadd.s32 $0x967C, s3;
	[dreg:$0x7] =	wrdreg s18  }
0x8: {  	s20 =	sadd.s32 $0xC750, s3;
	[dreg:$0x8] =	wrdreg s19  }
0x9: {  	s21 =	sadd.s32 $0xF824, s3;
	[dreg:$0x9] =	wrdreg s20  }
0xa: {  	s22 =	sadd.s32 $0x128F8, s3;
	[dreg:$0xa] =	wrdreg s21  }
0xb: {  	s23 =	sadd.s32 $0x159CC, s3;
	[dreg:$0xb] =	wrdreg s22  }
0xc: {  	s24 =	sadd.s32 $0x18AA0, s3;
	[dreg:$0xc] =	wrdreg s23  }
0xd: {  	s25 =	sadd.s32 $0x1BB74, s3;
	[dreg:$0xd] =	wrdreg s24  }
0xe: {  	s1 =	stileid.u32;
	s26 =	sadd.s32 $0x1EC48, s3;
	[dreg:$0xe] =	wrdreg s25  }
0xf: {  	s6 =	sshll.u32 s1, $0x1;
	s1 =	sadd.s32 $0x21D1C, s3;
	[dreg:$0xf] =	wrdreg s26  }
0x10: {  	s9 =	sadd.s32 $0x2AF98, s3;
	[dreg:$0x10] =	wrdreg s1  }
0x11: {  	s10 =	sadd.s32 $0x2E06C, s3;
	[dreg:$0x13] =	wrdreg s9  }
0x12: {  	s12 =	simm.s32 $0x400;
	[dreg:$0x14] =	wrdreg s10  }
0x13: {  	s13 =	simm.s32 $0x600;
	[dreg:$0x16] =	wrdreg s12  }
0x14: {  	s14 =	simm.s32 $0x800;
	[dreg:$0x17] =	wrdreg s13  }
0x15: {  	s15 =	simm.s32 $0xA00;
	[dreg:$0x18] =	wrdreg s14  }
0x16: {  	s0 =	srdreg.scid;
	s16 =	simm.s32 $0xC00;
	[dreg:$0x19] =	wrdreg s15  }
0x17: {  	s0 =	sand.u32 $0x1, s0;
	s7 =	sadd.s32 $0x24DF0, s3;
	[dreg:$0x1a] =	wrdreg s16  }
0x18: {  	s6 =	sor.u32 s0, s6;
	s17 =	simm.s32 $0xE00;
	[dreg:$0x11] =	wrdreg s7  }
0x19: {  	s19 =	simm.s32 $0x1000;
	s8 =	sshll.u32 s6, $0x6;
	[dreg:$0x1b] =	wrdreg s17  }
0x1a: {  	s6 =	sshll.u32 s6, $0xA;
	[dreg:$0x1c] =	wrdreg s19;
	s4 =	sadd.s32 s4, s8  }
0x1b: {  	s8 =	sadd.s32 $0x27EC4, s3;
	s1 =	sadd.s32 s5, s6;
	[dreg:$0x5] =	wrdreg s4  }
0x1c: {  	[dreg:$0x12] =	wrdreg s8;
	s11 =	sadd.s32 $0x200, s1  }
0x1d: {  	[dreg:$0x15] =	wrdreg s11  }
0x1e: {  	s4 =	simm.s32 $0x12;
	s18 =	rddreg [dreg:$0x5]  }
0x1f: {  	[tilespmem:s2], [sflag:$0x12] =	stream.linear.gather [hbm4b:s18+s2], $0x200, $0x38;
	[tilespmem:$0x2200] =	vst v63  }
0x20: {  	_ =	swait.ge [sflag:s4], $0x200  }
0x21: {  	s20 =	rddreg [dreg:$0x1c]  }
0x22: {  	s21 =	rddreg [dreg:$0x1b]  }
0x23: {  	s22 =	rddreg [dreg:$0x1a]  }
0x24: {  	s9 =	rddreg [dreg:$0x19]  }
0x25: {  	s10 =	rddreg [dreg:$0x6]  }
0x26: {  	s11 =	rddreg [dreg:$0x16]  }
0x27: {  	s12 =	rddreg [dreg:$0x4];
	[sflag:s4] =	ssyncset.done $0x0  }
0x28: {  	s5 =	simm.s32 $0x200;
	s13 =	rddreg [dreg:$0x17];
	[sflag:s4] =	ssyncadd.s32 $0xFFFFFE00  }
0x29: {  	[tilespmem:s5], [sflag:$0x1] =	stream.indirect.gather [hbm4b:s12+s5], $0x1, s2, s5, $0xb8;
	[tilespmem:$0x2200] =	vst v63  }
0x2a: {  	s14 =	rddreg [dreg:$0x18]  }
0x2b: {  	[tilespmem:s11], [sflag:$0x2] =	stream.indirect.gather [hbm4b:s10+s5], $0x1, s2, s5, $0xb8;
	[tilespmem:$0x2200] =	vst v63  }
0x2c: {  	s23 =	rddreg [dreg:$0x7]  }
0x2d: {  	[tilespmem:s13], [sflag:$0x3] =	stream.indirect.gather [hbm4b:s23+s5], $0x1, s2, s5, $0xb8;
	[tilespmem:$0x2200] =	vst v63  }
0x2e: {  	s24 =	rddreg [dreg:$0x8]  }
0x2f: {  	[tilespmem:s14], [sflag:$0x4] =	stream.indirect.gather [hbm4b:s24+s5], $0x1, s2, s5, $0xb8;
	[tilespmem:$0x2200] =	vst v63  }
0x30: {  	s25 =	rddreg [dreg:$0x9]  }
0x31: {  	[tilespmem:s9], [sflag:$0x5] =	stream.indirect.gather [hbm4b:s25+s5], $0x1, s2, s5, $0xb8;
	[tilespmem:$0x2200] =	vst v63  }
0x32: {  	s26 =	rddreg [dreg:$0xa]  }
0x33: {  	[tilespmem:s22], [sflag:$0x6] =	stream.indirect.gather [hbm4b:s26+s5], $0x1, s2, s5, $0xb8;
	[tilespmem:$0x2200] =	vst v63  }
0x34: {  	s3 =	rddreg [dreg:$0xb]  }
0x35: {  	[tilespmem:s21], [sflag:$0x7] =	stream.indirect.gather [hbm4b:s3+s5], $0x1, s2, s5, $0xb8;
	[tilespmem:$0x2200] =	vst v63  }
0x36: {  	s11 =	rddreg [dreg:$0xc]  }
0x37: {  	[tilespmem:s20], [sflag:$0x8] =	stream.indirect.gather [hbm4b:s11+s5], $0x1, s2, s5, $0xb8;
	[tilespmem:$0x2200] =	vst v63  }
0x38: {  	s12 =	rddreg [dreg:$0xd];
	s13 =	simm.s32 $0x1200  }
0x39: {  	[tilespmem:s13], [sflag:$0x9] =	stream.indirect.gather [hbm4b:s12+s5], $0x1, s2, s5, $0xb8;
	[tilespmem:$0x2200] =	vst v63  }
0x3a: {  	s15 =	simm.s32 $0x1400;
	s14 =	rddreg [dreg:$0xe]  }
0x3b: {  	[tilespmem:s15], [sflag:$0xA] =	stream.indirect.gather [hbm4b:s14+s5], $0x1, s2, s5, $0xb8;
	[tilespmem:$0x2200] =	vst v63  }
0x3c: {  	s17 =	simm.s32 $0x1600;
	s16 =	rddreg [dreg:$0xf]  }
0x3d: {  	[tilespmem:s17], [sflag:$0xB] =	stream.indirect.gather [hbm4b:s16+s5], $0x1, s2, s5, $0xb8;
	[tilespmem:$0x2200] =	vst v63  }
0x3e: {  	s19 =	simm.s32 $0x1800;
	s18 =	rddreg [dreg:$0x10]  }
0x3f: {  	[tilespmem:s19], [sflag:$0xC] =	stream.indirect.gather [hbm4b:s18+s5], $0x1, s2, s5, $0xb8;
	[tilespmem:$0x2200] =	vst v63  }
0x40: {  	s21 =	simm.s32 $0x1A00;
	s20 =	rddreg [dreg:$0x11]  }
0x41: {  	[tilespmem:s21], [sflag:$0xD] =	stream.indirect.gather [hbm4b:s20+s5], $0x1, s2, s5, $0xb8;
	[tilespmem:$0x2200] =	vst v63  }
0x42: {  	s23 =	simm.s32 $0x1C00;
	s22 =	rddreg [dreg:$0x12]  }
0x43: {  	[tilespmem:s23], [sflag:$0xE] =	stream.indirect.gather [hbm4b:s22+s5], $0x1, s2, s5, $0xb8;
	[tilespmem:$0x2200] =	vst v63  }
0x44: {  	s24 =	rddreg [dreg:$0x13];
	s25 =	simm.s32 $0x1E00  }
0x45: {  	[tilespmem:s25], [sflag:$0xF] =	stream.indirect.gather [hbm4b:s24+s5], $0x1, s2, s5, $0xb8;
	[tilespmem:$0x2200] =	vst v63  }
0x46: {  	s26 =	simm.s32 $0x2000;
	s15 =	rddreg [dreg:$0x14];
	s14 =	simm.s32 $0x1  }
0x47: {  	[tilespmem:s26], [sflag:$0x10] =	stream.indirect.gather [hbm4b:s15+s5], $0x1, s2, s5, $0xb8;
	[tilespmem:$0x2200] =	vst v63  }
0x48: {  	_ =	swait.ge [sflag:s14], $0x200  }
0x49: {  	[sflag:s14] =	ssyncset.done $0x0  }
0x4a: {  	s15 =	simm.s32 $0x2;
	[sflag:s14] =	ssyncadd.s32 $0xFFFFFE00  }
0x4b: {  	_ =	swait.ge [sflag:s15], $0x200  }
0x4c: {  	[sflag:s15] =	ssyncset.done $0x0  }
0x4d: {  	s16 =	simm.s32 $0x3;
	[sflag:s15] =	ssyncadd.s32 $0xFFFFFE00  }
0x4e: {  	_ =	swait.ge [sflag:s16], $0x200  }
0x4f: {  	[sflag:s16] =	ssyncset.done $0x0  }
0x50: {  	s17 =	simm.s32 $0x4;
	[sflag:s16] =	ssyncadd.s32 $0xFFFFFE00  }
0x51: {  	_ =	swait.ge [sflag:s17], $0x200  }
0x52: {  	[sflag:s17] =	ssyncset.done $0x0  }
0x53: {  	s18 =	simm.s32 $0x5;
	[sflag:s17] =	ssyncadd.s32 $0xFFFFFE00  }
0x54: {  	_ =	swait.ge [sflag:s18], $0x200  }
0x55: {  	[sflag:s18] =	ssyncset.done $0x0  }
0x56: {  	s19 =	simm.s32 $0x6;
	[sflag:s18] =	ssyncadd.s32 $0xFFFFFE00  }
0x57: {  	_ =	swait.ge [sflag:s19], $0x200  }
0x58: {  	[sflag:s19] =	ssyncset.done $0x0  }
0x59: {  	s20 =	simm.s32 $0x7;
	[sflag:s19] =	ssyncadd.s32 $0xFFFFFE00  }
0x5a: {  	_ =	swait.ge [sflag:s20], $0x200  }
0x5b: {  	[sflag:s20] =	ssyncset.done $0x0  }
0x5c: {  	s21 =	simm.s32 $0x8;
	[sflag:s20] =	ssyncadd.s32 $0xFFFFFE00  }
0x5d: {  	_ =	swait.ge [sflag:s21], $0x200  }
0x5e: {  	[sflag:s21] =	ssyncset.done $0x0  }
0x5f: {  	s22 =	simm.s32 $0x9;
	[dreg:$0x1d] =	wrdreg s1;
	[sflag:s21] =	ssyncadd.s32 $0xFFFFFE00  }
0x60: {  	[hbm4b:s1+s2] =	stream.linear.scatter [tilespmem:s5], [sflag:$0x11], $0x1000, $0x38;
	[tilespmem:$0x2200] =	vst v63  }
0x61: {  	_ =	swait.ge [sflag:s22], $0x200  }
0x62: {  	[sflag:s22] =	ssyncset.done $0x0  }
0x63: {  	s23 =	simm.s32 $0xA;
	[sflag:s22] =	ssyncadd.s32 $0xFFFFFE00  }
0x64: {  	_ =	swait.ge [sflag:s23], $0x200  }
0x65: {  	[sflag:s23] =	ssyncset.done $0x0  }
0x66: {  	s24 =	simm.s32 $0xB;
	[sflag:s23] =	ssyncadd.s32 $0xFFFFFE00  }
0x67: {  	_ =	swait.ge [sflag:s24], $0x200  }
0x68: {  	s0 =	ssub.s32 $0x2, s0;
	[sflag:s24] =	ssyncset.done $0x0  }
0x69: {  	s25 =	simm.s32 $0xC;
	s26 =	sshrl.u32 s0, $0x1;
	[sflag:s24] =	ssyncadd.s32 $0xFFFFFE00  }
0x6a: {  	s0 =	ssub.s32 s0, s26;
	_ =	swait.ge [sflag:s25], $0x200  }
0x6b: {  	s0 =	smax.u32 s0, $0x1;
	[sflag:s25] =	ssyncset.done $0x0  }
0x6c: {  	s28 =	simm.s32 $0xD;
	p0 =	sne.s32 s0, $0x1;
	[sflag:s25] =	ssyncadd.s32 $0xFFFFFE00  }
.Ltmp0:
0x6d: {  	_ =	swait.ge [sflag:s28], $0x200;
	(pc) =	sbr.rel @!p0 .LBB2_2-.Ltmp0, $4  }
0x6e: {  	[sflag:s28] =	ssyncset.done $0x0  }
0x6f: {  	s29 =	simm.s32 $0xE;
	s31 =	simm.s32 $0xF;
	[sflag:s28] =	ssyncadd.s32 $0xFFFFFE00  }
0x70: {  	s30 =	simm.s32 $0x10;
	s8 =	simm.s32 $0x1200;
	_ =	swait.ge [sflag:s29], $0x200  }
0x71: {  	s26 =	simm.s32 $0x11;
	s0 =	sadd.s32 $0xFFFFFFFF, s0;
	[sflag:s29] =	ssyncset.done $0x0  }
.LBB2_1:
0x72: {  	[sflag:s29] =	ssyncadd.s32 $0xFFFFFE00  }
0x73: {  	_ =	swait.ge [sflag:s31], $0x200  }
0x74: {  	[sflag:s31] =	ssyncset.done $0x0  }
0x75: {  	[sflag:s31] =	ssyncadd.s32 $0xFFFFFE00  }
0x76: {  	_ =	swait.ge [sflag:s30], $0x200  }
0x77: {  	[sflag:s30] =	ssyncset.done $0x0  }
0x78: {  	s6 =	simm.s32 $0x1200;
	s1 =	rddreg [dreg:$0x15];
	[sflag:s30] =	ssyncadd.s32 $0xFFFFFE00  }
0x79: {  	[hbm4b:s1+s2] =	stream.linear.scatter [tilespmem:s6], [sflag:$0x11], $0x1000, $0x38;
	[tilespmem:$0x2200] =	vst v63  }
0x7a: {  	_ =	swait.ge [sflag:s26], $0x1000  }
0x7b: {  	[sflag:s26] =	ssyncset.done $0x0  }
0x7c: {  	[sflag:s26] =	ssyncadd.s32 $0xFFFFF000  }
0x7d: {  	_ =	swait.ge [sflag:s26], $0x1000  }
0x7e: {  	[sflag:s26] =	ssyncset.done $0x0  }
0x7f: {  	s10 =	rddreg [dreg:$0x5];
	[sflag:s26] =	ssyncadd.s32 $0xFFFFF000  }
0x80: {  	[tilespmem:s2], [sflag:$0x12] =	stream.linear.gather [hbm4b:s10+s2], $0x200, $0x38;
	[tilespmem:$0x2200] =	vst v63  }
0x81: {  	_ =	swait.ge [sflag:s4], $0x200  }
0x82: {  	s1 =	rddreg [dreg:$0x1c]  }
0x83: {  	s7 =	rddreg [dreg:$0x1b]  }
0x84: {  	s8 =	rddreg [dreg:$0x1a]  }
0x85: {  	s9 =	rddreg [dreg:$0x19]  }
0x86: {  	s10 =	rddreg [dreg:$0x6]  }
0x87: {  	s11 =	rddreg [dreg:$0x16]  }
0x88: {  	[sflag:s4] =	ssyncset.done $0x0;
	s12 =	rddreg [dreg:$0x4]  }
0x89: {  	s13 =	rddreg [dreg:$0x17];
	[sflag:s4] =	ssyncadd.s32 $0xFFFFFE00  }
0x8a: {  	[tilespmem:s5], [sflag:$0x1] =	stream.indirect.gather [hbm4b:s12+s5], $0x1, s2, s5, $0xb8;
	[tilespmem:$0x2200] =	vst v63  }
0x8b: {  	s3 =	rddreg [dreg:$0x18]  }
0x8c: {  	[tilespmem:s11], [sflag:$0x2] =	stream.indirect.gather [hbm4b:s10+s5], $0x1, s2, s5, $0xb8;
	[tilespmem:$0x2200] =	vst v63  }
0x8d: {  	s12 =	rddreg [dreg:$0x7]  }
0x8e: {  	[tilespmem:s13], [sflag:$0x3] =	stream.indirect.gather [hbm4b:s12+s5], $0x1, s2, s5, $0xb8;
	[tilespmem:$0x2200] =	vst v63  }
0x8f: {  	s11 =	rddreg [dreg:$0x8]  }
0x90: {  	[tilespmem:s3], [sflag:$0x4] =	stream.indirect.gather [hbm4b:s11+s5], $0x1, s2, s5, $0xb8;
	[tilespmem:$0x2200] =	vst v63  }
0x91: {  	s13 =	rddreg [dreg:$0x9]  }
0x92: {  	[tilespmem:s9], [sflag:$0x5] =	stream.indirect.gather [hbm4b:s13+s5], $0x1, s2, s5, $0xb8;
	[tilespmem:$0x2200] =	vst v63  }
0x93: {  	s12 =	rddreg [dreg:$0xa]  }
0x94: {  	[tilespmem:s8], [sflag:$0x6] =	stream.indirect.gather [hbm4b:s12+s5], $0x1, s2, s5, $0xb8;
	[tilespmem:$0x2200] =	vst v63  }
0x95: {  	s13 =	rddreg [dreg:$0xb]  }
0x96: {  	[tilespmem:s7], [sflag:$0x7] =	stream.indirect.gather [hbm4b:s13+s5], $0x1, s2, s5, $0xb8;
	[tilespmem:$0x2200] =	vst v63  }
0x97: {  	s8 =	rddreg [dreg:$0xc]  }
0x98: {  	[tilespmem:s1], [sflag:$0x8] =	stream.indirect.gather [hbm4b:s8+s5], $0x1, s2, s5, $0xb8;
	[tilespmem:$0x2200] =	vst v63  }
0x99: {  	s10 =	rddreg [dreg:$0xd]  }
0x9a: {  	[tilespmem:s6], [sflag:$0x9] =	stream.indirect.gather [hbm4b:s10+s5], $0x1, s2, s5, $0xb8;
	[tilespmem:$0x2200] =	vst v63  }
0x9b: {  	s11 =	rddreg [dreg:$0xe];
	s13 =	simm.s32 $0x1400  }
0x9c: {  	[tilespmem:s13], [sflag:$0xA] =	stream.indirect.gather [hbm4b:s11+s5], $0x1, s2, s5, $0xb8;
	[tilespmem:$0x2200] =	vst v63  }
0x9d: {  	s9 =	simm.s32 $0x1600;
	s12 =	rddreg [dreg:$0xf]  }
0x9e: {  	[tilespmem:s9], [sflag:$0xB] =	stream.indirect.gather [hbm4b:s12+s5], $0x1, s2, s5, $0xb8;
	[tilespmem:$0x2200] =	vst v63  }
0x9f: {  	s7 =	rddreg [dreg:$0x10];
	s11 =	simm.s32 $0x1800  }
0xa0: {  	[tilespmem:s11], [sflag:$0xC] =	stream.indirect.gather [hbm4b:s7+s5], $0x1, s2, s5, $0xb8;
	[tilespmem:$0x2200] =	vst v63  }
0xa1: {  	s10 =	rddreg [dreg:$0x11];
	s13 =	simm.s32 $0x1A00  }
0xa2: {  	[tilespmem:s13], [sflag:$0xD] =	stream.indirect.gather [hbm4b:s10+s5], $0x1, s2, s5, $0xb8;
	[tilespmem:$0x2200] =	vst v63  }
0xa3: {  	s12 =	rddreg [dreg:$0x12];
	s9 =	simm.s32 $0x1C00  }
0xa4: {  	[tilespmem:s9], [sflag:$0xE] =	stream.indirect.gather [hbm4b:s12+s5], $0x1, s2, s5, $0xb8;
	[tilespmem:$0x2200] =	vst v63  }
0xa5: {  	s7 =	rddreg [dreg:$0x13];
	s11 =	simm.s32 $0x1E00  }
0xa6: {  	[tilespmem:s11], [sflag:$0xF] =	stream.indirect.gather [hbm4b:s7+s5], $0x1, s2, s5, $0xb8;
	[tilespmem:$0x2200] =	vst v63  }
0xa7: {  	s10 =	rddreg [dreg:$0x14];
	s12 =	simm.s32 $0x2000  }
0xa8: {  	[tilespmem:s12], [sflag:$0x10] =	stream.indirect.gather [hbm4b:s10+s5], $0x1, s2, s5, $0xb8;
	[tilespmem:$0x2200] =	vst v63  }
0xa9: {  	_ =	swait.ge [sflag:s14], $0x200  }
0xaa: {  	[sflag:s14] =	ssyncset.done $0x0  }
0xab: {  	[sflag:s14] =	ssyncadd.s32 $0xFFFFFE00  }
0xac: {  	_ =	swait.ge [sflag:s15], $0x200  }
0xad: {  	[sflag:s15] =	ssyncset.done $0x0  }
0xae: {  	[sflag:s15] =	ssyncadd.s32 $0xFFFFFE00  }
0xaf: {  	_ =	swait.ge [sflag:s16], $0x200  }
0xb0: {  	[sflag:s16] =	ssyncset.done $0x0  }
0xb1: {  	[sflag:s16] =	ssyncadd.s32 $0xFFFFFE00  }
0xb2: {  	_ =	swait.ge [sflag:s17], $0x200  }
0xb3: {  	[sflag:s17] =	ssyncset.done $0x0  }
0xb4: {  	[sflag:s17] =	ssyncadd.s32 $0xFFFFFE00  }
0xb5: {  	_ =	swait.ge [sflag:s18], $0x200  }
0xb6: {  	[sflag:s18] =	ssyncset.done $0x0  }
0xb7: {  	[sflag:s18] =	ssyncadd.s32 $0xFFFFFE00  }
0xb8: {  	_ =	swait.ge [sflag:s19], $0x200  }
0xb9: {  	[sflag:s19] =	ssyncset.done $0x0  }
0xba: {  	[sflag:s19] =	ssyncadd.s32 $0xFFFFFE00  }
0xbb: {  	_ =	swait.ge [sflag:s20], $0x200  }
0xbc: {  	[sflag:s20] =	ssyncset.done $0x0  }
0xbd: {  	[sflag:s20] =	ssyncadd.s32 $0xFFFFFE00  }
0xbe: {  	_ =	swait.ge [sflag:s21], $0x200  }
0xbf: {  	[sflag:s21] =	ssyncset.done $0x0  }
0xc0: {  	s13 =	rddreg [dreg:$0x1d];
	[sflag:s21] =	ssyncadd.s32 $0xFFFFFE00  }
0xc1: {  	[hbm4b:s13+s2] =	stream.linear.scatter [tilespmem:s5], [sflag:$0x11], $0x1000, $0x38;
	[tilespmem:$0x2200] =	vst v63  }
0xc2: {  	_ =	swait.ge [sflag:s22], $0x200  }
0xc3: {  	[sflag:s22] =	ssyncset.done $0x0  }
0xc4: {  	[sflag:s22] =	ssyncadd.s32 $0xFFFFFE00  }
0xc5: {  	_ =	swait.ge [sflag:s23], $0x200  }
0xc6: {  	[sflag:s23] =	ssyncset.done $0x0  }
0xc7: {  	[sflag:s23] =	ssyncadd.s32 $0xFFFFFE00  }
0xc8: {  	_ =	swait.ge [sflag:s24], $0x200  }
0xc9: {  	[sflag:s24] =	ssyncset.done $0x0  }
0xca: {  	[sflag:s24] =	ssyncadd.s32 $0xFFFFFE00  }
0xcb: {  	_ =	swait.ge [sflag:s25], $0x200  }
0xcc: {  	[sflag:s25] =	ssyncset.done $0x0  }
0xcd: {  	p0 =	sne.s32 s0, $0x1;
	[sflag:s25] =	ssyncadd.s32 $0xFFFFFE00  }
.Ltmp1:
0xce: {  	_ =	swait.ge [sflag:s28], $0x200;
	(pc) =	sbr.rel @p0 .LBB2_1-.Ltmp1, $4  }
0xcf: {  	[sflag:s28] =	ssyncset.done $0x0  }
0xd0: {  	[sflag:s28] =	ssyncadd.s32 $0xFFFFFE00  }
0xd1: {  	_ =	swait.ge [sflag:s29], $0x200  }
0xd2: {  	s0 =	sadd.s32 $0xFFFFFFFF, s0;
	s8 =	simm.s32 $0x1200;
	[sflag:s29] =	ssyncset.done $0x0  }
.LBB2_2:
0xd3: {  	[sflag:s29] =	ssyncadd.s32 $0xFFFFFE00  }
0xd4: {  	_ =	swait.ge [sflag:s31], $0x200  }
0xd5: {  	[sflag:s31] =	ssyncset.done $0x0  }
0xd6: {  	[sflag:s31] =	ssyncadd.s32 $0xFFFFFE00  }
0xd7: {  	_ =	swait.ge [sflag:s30], $0x200  }
0xd8: {  	[sflag:s30] =	ssyncset.done $0x0  }
0xd9: {  	s0 =	rddreg [dreg:$0x15];
	[sflag:s30] =	ssyncadd.s32 $0xFFFFFE00  }
0xda: {  	[hbm4b:s0+s2] =	stream.linear.scatter [tilespmem:s8], [sflag:$0x11], $0x1000, $0x38;
	[tilespmem:$0x2200] =	vst v63  }
0xdb: {  	_ =	swait.ge [sflag:s26], $0x1000  }
0xdc: {  	[sflag:s26] =	ssyncset.done $0x0  }
0xdd: {  	[sflag:s26] =	ssyncadd.s32 $0xFFFFF000  }
0xde: {  	_ =	swait.ge [sflag:s26], $0x1000  }
0xdf: {  	[sflag:s26] =	ssyncset.done $0x0  }
0xe0: {  	[sflag:s26] =	ssyncadd.s32 $0xFFFFF000  }
0xe1: {  	_ =	sfence.sel $0x180000  }
0xe2: {  	[bflag:$0x0] =	sbarrier.arrive $0xFFFF  }
0xe3: {  	_ =	strace $0x90000047  }
0xe4: {  	s31 =	stileid.u32;
	[bflag:$0x2] =	sbarrier.arrive $0xFFFF  }
0xe5: {  	p0 =	sne.s32 s31, $0x0;
	s0 =	rddreg [dreg:$0x3]  }
0xe6: {  	s0 =	sadd.s32 @!p0 $0x100000, s0  }
0xe7: {  	[sflag:s0] =	ssyncadd.tile.s32 @!p0 $0x1;
	_ =	shalt  }
.Lfunc_end2:
_tile_overlayer_lowered:
.L_overlay_start_2:
0xe8: {  	(tag) =	ssettag $0x2  }
0xe9: {  	s0 =	rddreg [dreg:$0x0];
	s2 =	stileid.u32  }
0xea: {  	s1 =	rddreg [dreg:$0x1];
	p0 =	sne.s32 s2, $0x0  }
0xeb: {  	s3 =	rddreg [dreg:$0x2];
	[bflag:$0x3] =	sbarrier.arrive $0xFFFF;
	s2 =	simm.s32 @!p0 $0x1C12  }
0xec: {  	[timem:s3], [sflag:s2] =	dma.local @!p0 [hbm:s0], s1  }
0xed: {  	s0 =	simm.s32 @!p0 $0x12  }
0xee: {  	_ =	swait.ge @!p0 [sflag:s0], s1  }
0xef: {  	s1 =	ssub.s32 @!p0 $0x0, s1;
	[sflag:s0] =	ssyncset.done @!p0 $0x0  }
0xf0: {  	[sflag:s0] =	ssyncadd.s32 @!p0 s1  }
0xf1: {  	[bflag:$0x3] =	sbarrier.arrive $0xFFFF  }
0xf2: {  	_ =	shalt  }

</sc_bundles>
